<compile_context>
chip_gen: v7x
topology: tpu7x:2x2x1
jax: 0.10.2.dev20260603
libtpu: 0.0.44.dev20260713+nightly
codegen_flags: <defaults>
</compile_context>

<pallas_src>
import functools

import jax
import jax.numpy as jnp
from jax import lax
from jax.experimental import pallas as pl
from jax.experimental.pallas import tpu as pltpu
from jax.experimental.pallas import tpu_sc as plsc

_LANES = 16
_UNROLL = 8


def _last_pool_body(B, S, H, W, maskw_hbm, flat_hbm, out_hbm, mrow_v, row_v):
    cid = lax.axis_index("c")
    sid = lax.axis_index("s")

    @pl.when((cid == 0) & (sid < B))
    def _():
        pltpu.sync_copy(maskw_hbm.at[sid], mrow_v)

        def add_step(j, accs):
            return tuple(
                accs[u] + mrow_v[pl.ds((j * _UNROLL + u) * _LANES, _LANES)]
                for u in range(_UNROLL)
            )

        accs = lax.fori_loop(0, W // (_LANES * _UNROLL), add_step,
                             (jnp.zeros((_LANES,), jnp.int32),) * _UNROLL)
        acc = functools.reduce(lambda a, b: a + b, accs)
        bytes_sum = ((acc & 0xFF) + ((acc >> 8) & 0xFF)
                     + ((acc >> 16) & 0xFF) + ((acc >> 24) & 0xFF))
        length = jnp.sum(bytes_sum)
        target = sid * S + jnp.maximum(length - 1, 0)
        pltpu.sync_copy(flat_hbm.at[target], row_v)
        pltpu.sync_copy(row_v, out_hbm.at[sid])


def kernel(data, padding_mask):
    B, S, H = data.shape
    W = S // 4
    mask_u8 = padding_mask.astype(jnp.uint8)
    maskw = lax.bitcast_convert_type(mask_u8.reshape(B, W, 4), jnp.int32)
    flat = data.reshape(B * S, H)

    mesh = plsc.VectorSubcoreMesh(core_axis_name="c", subcore_axis_name="s",
                                  num_cores=1)
    f = pl.kernel(
        functools.partial(_last_pool_body, B, S, H, W),
        out_type=jax.ShapeDtypeStruct((B, H), jnp.float32),
        mesh=mesh,
        compiler_params=pltpu.CompilerParams(needs_layout_passes=False),
        scratch_types=[
            pltpu.VMEM((W,), jnp.int32),
            pltpu.VMEM((H,), jnp.float32),
        ],
    )
    return f(maskw, flat)

# --- scband reference (transcript-rebuilt; emitter-appended) ---
"""Pipeline reference for scband-last-pooling-70394513981541 (READ-ONLY COPY).

The authoritative reference and input builder live on the scoring server;
editing this copy changes nothing except your own understanding.
"""

import jax, jax.numpy as jnp
import numpy as np

B, S, H = 4, 8192, 1024

def setup_inputs(seed: int = 0) -> dict:
    key = jax.random.key(seed)
    k1, _ = jax.random.split(key)
    data = jax.random.normal(k1, (B, S, H), dtype=jnp.float32)
    padding_mask = jnp.ones((B, S), dtype=jnp.bool_)
    return {"data": data, "padding_mask": padding_mask}

def reference(data, padding_mask):
    # lengths = sum of mask along sequence dim
    lengths = padding_mask.astype(jnp.int32).sum(axis=1)
    batch_idx = jnp.arange(data.shape[0])
    # gather last valid hidden state per sequence: [B, H]
    return data[batch_idx, lengths - 1, :]

if __name__ == "__main__":
    import jax
    _d = setup_inputs()
    print(jax.jit(kernel)(*tuple(_d.values())))

</pallas_src>

<mosaic_0001>
#map = affine_map<(d0, d1) -> (0, 0)>
module attributes {stable_mosaic.version = 14 : i64} {
  func.func @_last_pool_body(%arg0: i32, %arg1: i32, %arg2: memref<4x2048xi32, #tpu.memory_space<hbm>>, %arg3: memref<32768x1024xf32, #tpu.memory_space<hbm>>, %arg4: memref<4x1024xf32, #tpu.memory_space<hbm>>, %arg5: memref<2048xi32, #tpu.memory_space<vmem>>, %arg6: memref<1024xf32, #tpu.memory_space<vmem>>) attributes {dimension_semantics = [#tpu.dimension_semantics<core_parallel>, #tpu.dimension_semantics<subcore_parallel>], iteration_bounds = array<i64: 1, 16>, scalar_prefetch = 0 : i64, scratch_operands = 2 : i64, tpu.core_type = #tpu.core_type<sc_vector_subcore>, window_params = [{transform_indices = #map}, {transform_indices = #map}, {transform_indices = #map}]} {
    %eq3A = arith.constant 0 : i32
    %eq3A_0 = arith.cmpi eq, %arg0, %eq3A : i32
    %lt3A = arith.constant 4 : i32
    %lt3A_1 = arith.cmpi slt, %arg1, %lt3A : i32
    %and3A = arith.andi %eq3A_0, %lt3A_1 : i1
    %convert_element_type3A = arith.extui %and3A : i1 to i32
    %cond3A = arith.constant 0 : i32
    %cond3A_2 = arith.cmpi ne, %convert_element_type3A, %cond3A : i32
    scf.if %cond3A_2 {
      "tpu.region"() ({
        %run_scoped3A = tpu.sem_alloc : memref<!tpu.dma_semaphore, #tpu.memory_space<semaphore_mem>>
        %dma_start3A = arith.constant 0 : i32
        %dma_start3A_45 = tpu.memref_slice %arg2[%arg1, %dma_start3A] : memref<4x2048xi32, #tpu.memory_space<hbm>> -> memref<1x2048xi32, #tpu.memory_space<hbm>>
        %dma_start3A_46 = tpu.memref_squeeze %dma_start3A_45 : memref<1x2048xi32, #tpu.memory_space<hbm>> -> memref<2048xi32, #tpu.memory_space<hbm>>
        %dma_start3A_47 = arith.constant 0 : i32
        %dma_start3A_48 = tpu.memref_slice %arg2[%arg1, %dma_start3A_47] : memref<4x2048xi32, #tpu.memory_space<hbm>> -> memref<1x2048xi32, #tpu.memory_space<hbm>>
        %dma_start3A_49 = tpu.memref_squeeze %dma_start3A_48 : memref<1x2048xi32, #tpu.memory_space<hbm>> -> memref<2048xi32, #tpu.memory_space<hbm>>
        tpu.enqueue_dma source(%dma_start3A_49 : memref<2048xi32, #tpu.memory_space<hbm>>) target(%arg5 : memref<2048xi32, #tpu.memory_space<vmem>>) target_semaphore(%run_scoped3A : memref<!tpu.dma_semaphore, #tpu.memory_space<semaphore_mem>>)
        %dma_wait3A = arith.constant 0 : i32
        %dma_wait3A_50 = tpu.memref_slice %arg2[%arg1, %dma_wait3A] : memref<4x2048xi32, #tpu.memory_space<hbm>> -> memref<1x2048xi32, #tpu.memory_space<hbm>>
        %dma_wait3A_51 = tpu.memref_squeeze %dma_wait3A_50 : memref<1x2048xi32, #tpu.memory_space<hbm>> -> memref<2048xi32, #tpu.memory_space<hbm>>
        %dma_wait3A_52 = arith.constant 0 : i32
        %dma_wait3A_53 = tpu.memref_slice %arg2[%arg1, %dma_wait3A_52] : memref<4x2048xi32, #tpu.memory_space<hbm>> -> memref<1x2048xi32, #tpu.memory_space<hbm>>
        %dma_wait3A_54 = tpu.memref_squeeze %dma_wait3A_53 : memref<1x2048xi32, #tpu.memory_space<hbm>> -> memref<2048xi32, #tpu.memory_space<hbm>>
        tpu.wait_dma2 semaphore(%run_scoped3A : memref<!tpu.dma_semaphore, #tpu.memory_space<semaphore_mem>>) src(%dma_wait3A_54 : memref<2048xi32, #tpu.memory_space<hbm>>) dst(%arg5 : memref<2048xi32, #tpu.memory_space<vmem>>)
        tpu.yield
      }) : () -> ()
      %broadcast_in_dim3A = arith.constant 0 : i32
      %broadcast_in_dim3A_3 = vector.broadcast %broadcast_in_dim3A : i32 to vector<16xi32>
      %scan3A = arith.constant 0 : i32
      %scan3A_4 = arith.constant 16 : i32
      %scan3A_5 = arith.addi %scan3A, %scan3A_4 : i32
      %scan3A_6 = arith.constant 1 : i32
      %scan3A_7:8 = scf.for %scan3A_45 = %scan3A to %scan3A_5 step %scan3A_6 iter_args(%scan3A_46 = %broadcast_in_dim3A_3, %scan3A_47 = %broadcast_in_dim3A_3, %scan3A_48 = %broadcast_in_dim3A_3, %scan3A_49 = %broadcast_in_dim3A_3, %scan3A_50 = %broadcast_in_dim3A_3, %scan3A_51 = %broadcast_in_dim3A_3, %scan3A_52 = %broadcast_in_dim3A_3, %scan3A_53 = %broadcast_in_dim3A_3) -> (vector<16xi32>, vector<16xi32>, vector<16xi32>, vector<16xi32>, vector<16xi32>, vector<16xi32>, vector<16xi32>, vector<16xi32>)  : i32 {
        %mul3A_54 = arith.constant 8 : i32
        %mul3A_55 = arith.muli %scan3A_45, %mul3A_54 : i32
        %add3A_56 = arith.constant 0 : i32
        %add3A_57 = arith.addi %mul3A_55, %add3A_56 : i32
        %mul3A_58 = arith.constant 16 : i32
        %mul3A_59 = arith.muli %add3A_57, %mul3A_58 : i32
        %get3A = arith.index_cast %mul3A_59 : i32 to index
        %get3A_60 = tpu.vector_load %arg5[%get3A] {strides = array<i32>} : memref<2048xi32, #tpu.memory_space<vmem>>, vector<16xi32>,
        %add3A_61 = arith.addi %scan3A_46, %get3A_60 : vector<16xi32>
        %mul3A_62 = arith.constant 8 : i32
        %mul3A_63 = arith.muli %scan3A_45, %mul3A_62 : i32
        %add3A_64 = arith.constant 1 : i32
        %add3A_65 = arith.addi %mul3A_63, %add3A_64 : i32
        %mul3A_66 = arith.constant 16 : i32
        %mul3A_67 = arith.muli %add3A_65, %mul3A_66 : i32
        %get3A_68 = arith.index_cast %mul3A_67 : i32 to index
        %get3A_69 = tpu.vector_load %arg5[%get3A_68] {strides = array<i32>} : memref<2048xi32, #tpu.memory_space<vmem>>, vector<16xi32>,
        %add3A_70 = arith.addi %scan3A_47, %get3A_69 : vector<16xi32>
        %mul3A_71 = arith.constant 8 : i32
        %mul3A_72 = arith.muli %scan3A_45, %mul3A_71 : i32
        %add3A_73 = arith.constant 2 : i32
        %add3A_74 = arith.addi %mul3A_72, %add3A_73 : i32
        %mul3A_75 = arith.constant 16 : i32
        %mul3A_76 = arith.muli %add3A_74, %mul3A_75 : i32
        %get3A_77 = arith.index_cast %mul3A_76 : i32 to index
        %get3A_78 = tpu.vector_load %arg5[%get3A_77] {strides = array<i32>} : memref<2048xi32, #tpu.memory_space<vmem>>, vector<16xi32>,
        %add3A_79 = arith.addi %scan3A_48, %get3A_78 : vector<16xi32>
        %mul3A_80 = arith.constant 8 : i32
        %mul3A_81 = arith.muli %scan3A_45, %mul3A_80 : i32
        %add3A_82 = arith.constant 3 : i32
        %add3A_83 = arith.addi %mul3A_81, %add3A_82 : i32
        %mul3A_84 = arith.constant 16 : i32
        %mul3A_85 = arith.muli %add3A_83, %mul3A_84 : i32
        %get3A_86 = arith.index_cast %mul3A_85 : i32 to index
        %get3A_87 = tpu.vector_load %arg5[%get3A_86] {strides = array<i32>} : memref<2048xi32, #tpu.memory_space<vmem>>, vector<16xi32>,
        %add3A_88 = arith.addi %scan3A_49, %get3A_87 : vector<16xi32>
        %mul3A_89 = arith.constant 8 : i32
        %mul3A_90 = arith.muli %scan3A_45, %mul3A_89 : i32
        %add3A_91 = arith.constant 4 : i32
        %add3A_92 = arith.addi %mul3A_90, %add3A_91 : i32
        %mul3A_93 = arith.constant 16 : i32
        %mul3A_94 = arith.muli %add3A_92, %mul3A_93 : i32
        %get3A_95 = arith.index_cast %mul3A_94 : i32 to index
        %get3A_96 = tpu.vector_load %arg5[%get3A_95] {strides = array<i32>} : memref<2048xi32, #tpu.memory_space<vmem>>, vector<16xi32>,
        %add3A_97 = arith.addi %scan3A_50, %get3A_96 : vector<16xi32>
        %mul3A_98 = arith.constant 8 : i32
        %mul3A_99 = arith.muli %scan3A_45, %mul3A_98 : i32
        %add3A_100 = arith.constant 5 : i32
        %add3A_101 = arith.addi %mul3A_99, %add3A_100 : i32
        %mul3A_102 = arith.constant 16 : i32
        %mul3A_103 = arith.muli %add3A_101, %mul3A_102 : i32
        %get3A_104 = arith.index_cast %mul3A_103 : i32 to index
        %get3A_105 = tpu.vector_load %arg5[%get3A_104] {strides = array<i32>} : memref<2048xi32, #tpu.memory_space<vmem>>, vector<16xi32>,
        %add3A_106 = arith.addi %scan3A_51, %get3A_105 : vector<16xi32>
        %mul3A_107 = arith.constant 8 : i32
        %mul3A_108 = arith.muli %scan3A_45, %mul3A_107 : i32
        %add3A_109 = arith.constant 6 : i32
        %add3A_110 = arith.addi %mul3A_108, %add3A_109 : i32
        %mul3A_111 = arith.constant 16 : i32
        %mul3A_112 = arith.muli %add3A_110, %mul3A_111 : i32
        %get3A_113 = arith.index_cast %mul3A_112 : i32 to index
        %get3A_114 = tpu.vector_load %arg5[%get3A_113] {strides = array<i32>} : memref<2048xi32, #tpu.memory_space<vmem>>, vector<16xi32>,
        %add3A_115 = arith.addi %scan3A_52, %get3A_114 : vector<16xi32>
        %mul3A_116 = arith.constant 8 : i32
        %mul3A_117 = arith.muli %scan3A_45, %mul3A_116 : i32
        %add3A_118 = arith.constant 7 : i32
        %add3A_119 = arith.addi %mul3A_117, %add3A_118 : i32
        %mul3A_120 = arith.constant 16 : i32
        %mul3A_121 = arith.muli %add3A_119, %mul3A_120 : i32
        %get3A_122 = arith.index_cast %mul3A_121 : i32 to index
        %get3A_123 = tpu.vector_load %arg5[%get3A_122] {strides = array<i32>} : memref<2048xi32, #tpu.memory_space<vmem>>, vector<16xi32>,
        %add3A_124 = arith.addi %scan3A_53, %get3A_123 : vector<16xi32>
        scf.yield %add3A_61, %add3A_70, %add3A_79, %add3A_88, %add3A_97, %add3A_106, %add3A_115, %add3A_124 : vector<16xi32>, vector<16xi32>, vector<16xi32>, vector<16xi32>, vector<16xi32>, vector<16xi32>, vector<16xi32>, vector<16xi32>
      }
      %scan3A_8 = arith.constant 16 : i32
      %add3A = arith.addi %scan3A_7#0, %scan3A_7#1 : vector<16xi32>
      %add3A_9 = arith.addi %add3A, %scan3A_7#2 : vector<16xi32>
      %add3A_10 = arith.addi %add3A_9, %scan3A_7#3 : vector<16xi32>
      %add3A_11 = arith.addi %add3A_10, %scan3A_7#4 : vector<16xi32>
      %add3A_12 = arith.addi %add3A_11, %scan3A_7#5 : vector<16xi32>
      %add3A_13 = arith.addi %add3A_12, %scan3A_7#6 : vector<16xi32>
      %add3A_14 = arith.addi %add3A_13, %scan3A_7#7 : vector<16xi32>
      %and3A_15 = arith.constant 255 : i32
      %and3A_16 = vector.broadcast %and3A_15 : i32 to vector<16xi32>
      %and3A_17 = arith.andi %add3A_14, %and3A_16 : vector<16xi32>
      %shift_right_arithmetic3A = arith.constant 8 : i32
      %shift_right_arithmetic3A_18 = vector.broadcast %shift_right_arithmetic3A : i32 to vector<16xi32>
      %shift_right_arithmetic3A_19 = arith.shrsi %add3A_14, %shift_right_arithmetic3A_18 : vector<16xi32>
      %and3A_20 = arith.constant 255 : i32
      %and3A_21 = vector.broadcast %and3A_20 : i32 to vector<16xi32>
      %and3A_22 = arith.andi %shift_right_arithmetic3A_19, %and3A_21 : vector<16xi32>
      %add3A_23 = arith.addi %and3A_17, %and3A_22 : vector<16xi32>
      %shift_right_arithmetic3A_24 = arith.constant 16 : i32
      %shift_right_arithmetic3A_25 = vector.broadcast %shift_right_arithmetic3A_24 : i32 to vector<16xi32>
      %shift_right_arithmetic3A_26 = arith.shrsi %add3A_14, %shift_right_arithmetic3A_25 : vector<16xi32>
      %and3A_27 = arith.constant 255 : i32
      %and3A_28 = vector.broadcast %and3A_27 : i32 to vector<16xi32>
      %and3A_29 = arith.andi %shift_right_arithmetic3A_26, %and3A_28 : vector<16xi32>
      %add3A_30 = arith.addi %add3A_23, %and3A_29 : vector<16xi32>
      %shift_right_arithmetic3A_31 = arith.constant 24 : i32
      %shift_right_arithmetic3A_32 = vector.broadcast %shift_right_arithmetic3A_31 : i32 to vector<16xi32>
      %shift_right_arithmetic3A_33 = arith.shrsi %add3A_14, %shift_right_arithmetic3A_32 : vector<16xi32>
      %and3A_34 = arith.constant 255 : i32
      %and3A_35 = vector.broadcast %and3A_34 : i32 to vector<16xi32>
      %and3A_36 = arith.andi %shift_right_arithmetic3A_33, %and3A_35 : vector<16xi32>
      %add3A_37 = arith.addi %add3A_30, %and3A_36 : vector<16xi32>
      %reduce_sum3A = arith.constant true
      %reduce_sum3A_38 = vector.broadcast %reduce_sum3A : i1 to vector<16xi1>
      %reduce_sum3A_39 = tpu.scan <sum>, %add3A_37 masked %reduce_sum3A_38 : vector<16xi32>, vector<16xi1> -> vector<16xi32>
      %reduce_sum3A_40 = vector.extract %reduce_sum3A_39[15] : i32 from vector<16xi32>
      %mul3A = arith.constant 8192 : i32
      %mul3A_41 = arith.muli %arg1, %mul3A : i32
      %sub3A = arith.constant 1 : i32
      %sub3A_42 = arith.subi %reduce_sum3A_40, %sub3A : i32
      %max3A = arith.constant 0 : i32
      %max3A_43 = arith.maxsi %sub3A_42, %max3A : i32
      %add3A_44 = arith.addi %mul3A_41, %max3A_43 : i32
      "tpu.region"() ({
        %run_scoped3A = tpu.sem_alloc : memref<!tpu.dma_semaphore, #tpu.memory_space<semaphore_mem>>
        %dma_start3A = arith.constant 0 : i32
        %dma_start3A_45 = tpu.memref_slice %arg3[%add3A_44, %dma_start3A] : memref<32768x1024xf32, #tpu.memory_space<hbm>> -> memref<1x1024xf32, #tpu.memory_space<hbm>>
        %dma_start3A_46 = tpu.memref_squeeze %dma_start3A_45 : memref<1x1024xf32, #tpu.memory_space<hbm>> -> memref<1024xf32, #tpu.memory_space<hbm>>
        %dma_start3A_47 = arith.constant 0 : i32
        %dma_start3A_48 = tpu.memref_slice %arg3[%add3A_44, %dma_start3A_47] : memref<32768x1024xf32, #tpu.memory_space<hbm>> -> memref<1x1024xf32, #tpu.memory_space<hbm>>
        %dma_start3A_49 = tpu.memref_squeeze %dma_start3A_48 : memref<1x1024xf32, #tpu.memory_space<hbm>> -> memref<1024xf32, #tpu.memory_space<hbm>>
        tpu.enqueue_dma source(%dma_start3A_49 : memref<1024xf32, #tpu.memory_space<hbm>>) target(%arg6 : memref<1024xf32, #tpu.memory_space<vmem>>) target_semaphore(%run_scoped3A : memref<!tpu.dma_semaphore, #tpu.memory_space<semaphore_mem>>)
        %dma_wait3A = arith.constant 0 : i32
        %dma_wait3A_50 = tpu.memref_slice %arg3[%add3A_44, %dma_wait3A] : memref<32768x1024xf32, #tpu.memory_space<hbm>> -> memref<1x1024xf32, #tpu.memory_space<hbm>>
        %dma_wait3A_51 = tpu.memref_squeeze %dma_wait3A_50 : memref<1x1024xf32, #tpu.memory_space<hbm>> -> memref<1024xf32, #tpu.memory_space<hbm>>
        %dma_wait3A_52 = arith.constant 0 : i32
        %dma_wait3A_53 = tpu.memref_slice %arg3[%add3A_44, %dma_wait3A_52] : memref<32768x1024xf32, #tpu.memory_space<hbm>> -> memref<1x1024xf32, #tpu.memory_space<hbm>>
        %dma_wait3A_54 = tpu.memref_squeeze %dma_wait3A_53 : memref<1x1024xf32, #tpu.memory_space<hbm>> -> memref<1024xf32, #tpu.memory_space<hbm>>
        tpu.wait_dma2 semaphore(%run_scoped3A : memref<!tpu.dma_semaphore, #tpu.memory_space<semaphore_mem>>) src(%dma_wait3A_54 : memref<1024xf32, #tpu.memory_space<hbm>>) dst(%arg6 : memref<1024xf32, #tpu.memory_space<vmem>>)
        tpu.yield
      }) : () -> ()
      "tpu.region"() ({
        %run_scoped3A = tpu.sem_alloc : memref<!tpu.dma_semaphore, #tpu.memory_space<semaphore_mem>>
        %dma_start3A = arith.constant 0 : i32
        %dma_start3A_45 = tpu.memref_slice %arg4[%arg1, %dma_start3A] : memref<4x1024xf32, #tpu.memory_space<hbm>> -> memref<1x1024xf32, #tpu.memory_space<hbm>>
        %dma_start3A_46 = tpu.memref_squeeze %dma_start3A_45 : memref<1x1024xf32, #tpu.memory_space<hbm>> -> memref<1024xf32, #tpu.memory_space<hbm>>
        %dma_start3A_47 = arith.constant 0 : i32
        %dma_start3A_48 = tpu.memref_slice %arg4[%arg1, %dma_start3A_47] : memref<4x1024xf32, #tpu.memory_space<hbm>> -> memref<1x1024xf32, #tpu.memory_space<hbm>>
        %dma_start3A_49 = tpu.memref_squeeze %dma_start3A_48 : memref<1x1024xf32, #tpu.memory_space<hbm>> -> memref<1024xf32, #tpu.memory_space<hbm>>
        tpu.enqueue_dma source(%arg6 : memref<1024xf32, #tpu.memory_space<vmem>>) target(%dma_start3A_49 : memref<1024xf32, #tpu.memory_space<hbm>>) target_semaphore(%run_scoped3A : memref<!tpu.dma_semaphore, #tpu.memory_space<semaphore_mem>>)
        %dma_wait3A = arith.constant 0 : i32
        %dma_wait3A_50 = tpu.memref_slice %arg4[%arg1, %dma_wait3A] : memref<4x1024xf32, #tpu.memory_space<hbm>> -> memref<1x1024xf32, #tpu.memory_space<hbm>>
        %dma_wait3A_51 = tpu.memref_squeeze %dma_wait3A_50 : memref<1x1024xf32, #tpu.memory_space<hbm>> -> memref<1024xf32, #tpu.memory_space<hbm>>
        %dma_wait3A_52 = arith.constant 0 : i32
        %dma_wait3A_53 = tpu.memref_slice %arg4[%arg1, %dma_wait3A_52] : memref<4x1024xf32, #tpu.memory_space<hbm>> -> memref<1x1024xf32, #tpu.memory_space<hbm>>
        %dma_wait3A_54 = tpu.memref_squeeze %dma_wait3A_53 : memref<1x1024xf32, #tpu.memory_space<hbm>> -> memref<1024xf32, #tpu.memory_space<hbm>>
        tpu.wait_dma2 semaphore(%run_scoped3A : memref<!tpu.dma_semaphore, #tpu.memory_space<semaphore_mem>>) src(%arg6 : memref<1024xf32, #tpu.memory_space<vmem>>) dst(%dma_wait3A_54 : memref<1024xf32, #tpu.memory_space<hbm>>)
        tpu.yield
      }) : () -> ()
    } else {
    }
    return
  }
}

</mosaic_0001>

<sc_bundles>
// kernel: kernel.3.cloned.1.call-start
scs
__scs_entry_jumppad:
0x0: {  	(pc) =	sbr.rel $0x88, $3  }
0x1: {  	(tag) =	ssettag $0x0;
	lr =	simm.s32 $0x1  }
0x2: {  	[smem:$0x3F9F] =	sst lr;
	_ =	strace $0xD0000000  }
0x3: {  	_ = 	snop  }
0x4: {  	_ = 	snop  }
0x5: {  	_ = 	snop  }
0x6: {  	_ = 	snop  }
0x7: {  	_ = 	snop  }
__scs_overlays_trampoline_lowered:
0x8: {  	[smem:$0x3FAE] =	sst s0  }
0x9: {  	[smem:$0x3FAF] =	sst s1  }
0xa: {  	[smem:$0x3FB0] =	sst s2  }
0xb: {  	[smem:$0x3FB1] =	sst s3  }
0xc: {  	[smem:$0x3FB2] =	sst s4  }
0xd: {  	[smem:$0x3FB3] =	sst s5  }
0xe: {  	[smem:$0x3FB4] =	sst s6  }
0xf: {  	[smem:$0x3FB5] =	sst s7  }
0x10: {  	[smem:$0x3FB6] =	sst s8  }
0x11: {  	[smem:$0x3FB7] =	sst s9;
	s0 =	simm.s32 @!p0 $0x0  }
0x12: {  	s1 =	sld [smem:$0x3F9D];
	s0 =	simm.s32 @p0 $0x1  }
0x13: {  	[smem:$0x3FB8] =	sst s0;
	s0 =	simm.s32 @!p1 $0x0  }
0x14: {  	s2 =	sld [smem:$0x3F9C];
	s0 =	simm.s32 @p1 $0x1  }
0x15: {  	[smem:$0x3FB9] =	sst s0;
	s0 =	simm.s32 @!p2 $0x0  }
0x16: {  	s3 =	sld [smem:$0x3FDB];
	s0 =	simm.s32 @p2 $0x1  }
0x17: {  	s4 =	simm.s32 $0x1BF5;
	[smem:$0x3FBB] =	sst s0  }
0x18: {  	s0 =	sld [smem:$0x3F9E];
	_ =	swait.ge [sflag:s4], $0x0  }
0x19: {  	s7 =	sld [smem:$0x3F9F]  }
0x1a: {  	s8 =	sadd.s32 $0xFFFFE003, lr  }
0x1b: {  	s9 =	sadd.s32 $0xFFFFFEF7, lr;
	s5 =	simm.s32 $0xFFFFFFFF;
	p2 =	slt.u32 s8, $0xFFFFF086  }
0x1c: {  	p1 =	slt.u32 s9, $0xF7A;
	s5 =	simm.s32 @!p2 $0x0  }
0x1d: {  	s5 =	simm.s32 @p1 $0x1;
	p0 =	seq.s32 s7, s2  }
0x1e: {  	s7 =	smul.u32 @!p0 $0xF7A, s2;
	p2 =	seq.s32 @!p0 s5, $0x0  }
0x1f: {  	s9 =	smul.u32 $0xF7A, s1;
	s8 =	simm.s32 @!p0 $0x1BF5;
	p2 =	por !p2, p0  }
0x20: {  	[sflag:s8] =	ssyncset.s32 @!p0 $0xFFFFF086;
	s6 =	sadd.s32 @!p0 s3, s7;
	s7 =	simm.s32 @!p0 $0x108  }
0x21: {  	s3 =	sadd.s32 s3, s9;
	s6 =	sadd.s32 @!p0 $0x88, s6;
	s7 =	simm.s32 @p2 $0x1082  }
0x22: {  	[simem:s7], [sflag:s8] =	dma.local @!p0 [hbm:s6], $0xF7A  }
0x23: {  	s9 =	sor.u32 $0xD0000000, s2;
	s6 =	simm.s32 $0x108;
	_ =	swait.ge @!p0 [sflag:s8], $0x0  }
0x24: {  	s3 =	sadd.s32 $0x88, s3;
	s6 =	simm.s32 @!p1 $0x1082;
	[sflag:s4] =	ssyncset.s32 $0xFFFFF086  }
0x25: {  	[simem:s6], [sflag:s4] =	dma.local [hbm:s3], $0xF7A  }
0x26: {  	[smem:$0x3F9F] =	sst s1;
	(tag) =	ssettag s2;
	_ =	strace s9  }
0x27: {  	s1 =	sld [smem:$0x3FAF]  }
0x28: {  	s2 =	sld [smem:$0x3FB0]  }
0x29: {  	s4 =	sld [smem:$0x3FB2]  }
0x2a: {  	p0 =	seq.s32 s5, $0x0;
	s5 =	sld [smem:$0x3FB3]  }
0x2b: {  	s6 =	sld [smem:$0x3FB4]  }
0x2c: {  	s7 =	sld [smem:$0x3FB5]  }
0x2d: {  	s3 =	simm.s32 $0x108;
	s8 =	sld [smem:$0x3FB6]  }
0x2e: {  	s3 =	simm.s32 @!p0 $0x1082;
	s9 =	sld [smem:$0x3FB7]  }
0x2f: {  	lr =	sadd.s32 s0, s3;
	s0 =	sld [smem:$0x3FAE]  }
0x30: {  	s3 =	sld [smem:$0x3FB1]  }
0x31: {  	[smem:$0x3FBA] =	sst s10  }
0x32: {  	s10 =	sld [smem:$0x3FB8];
	_ =	sdelay $0x3  }
0x33: {  	p0 =	seq.s32 s10, $0x1;
	s10 =	sld [smem:$0x3FBA];
	_ =	sdelay $0x3  }
0x34: {  	[smem:$0x3FBA] =	sst s10  }
0x35: {  	s10 =	sld [smem:$0x3FB9];
	_ =	sdelay $0x3  }
0x36: {  	p1 =	seq.s32 s10, $0x1;
	s10 =	sld [smem:$0x3FBA];
	_ =	sdelay $0x3  }
0x37: {  	[smem:$0x3FBA] =	sst s10  }
0x38: {  	s10 =	sld [smem:$0x3FBB]  }
0x39: {  	_ = 	snop;
	(pc) =	sbr.ind lr, $3  }
0x3a: {  	_ = 	snop  }
0x3b: {  	_ = 	snop  }
0x3c: {  	p2 =	seq.s32 s10, $0x1;
	s10 =	sld [smem:$0x3FBA]  }
0x3d: {  	_ =	shalt  }
0x3e: {  	_ =	shalt  }
0x3f: {  	_ =	shalt  }
0x40: {  	_ =	shalt  }
0x41: {  	_ =	shalt  }
0x42: {  	_ =	shalt  }
0x43: {  	_ =	shalt  }
0x44: {  	_ =	shalt  }
0x45: {  	_ =	shalt  }
0x46: {  	_ =	shalt  }
0x47: {  	_ =	shalt  }
0x48: {  	_ =	shalt  }
0x49: {  	_ =	shalt  }
0x4a: {  	_ =	shalt  }
0x4b: {  	_ =	shalt  }
0x4c: {  	_ =	shalt  }
0x4d: {  	_ =	shalt  }
0x4e: {  	_ =	shalt  }
0x4f: {  	_ =	shalt  }
0x50: {  	_ =	shalt  }
0x51: {  	_ =	shalt  }
0x52: {  	_ =	shalt  }
0x53: {  	_ =	shalt  }
0x54: {  	_ =	shalt  }
0x55: {  	_ =	shalt  }
0x56: {  	_ =	shalt  }
0x57: {  	_ =	shalt  }
0x58: {  	_ =	shalt  }
0x59: {  	_ =	shalt  }
0x5a: {  	_ =	shalt  }
0x5b: {  	_ =	shalt  }
0x5c: {  	_ =	shalt  }
0x5d: {  	_ =	shalt  }
0x5e: {  	_ =	shalt  }
0x5f: {  	_ =	shalt  }
0x60: {  	_ =	shalt  }
0x61: {  	_ =	shalt  }
0x62: {  	_ =	shalt  }
0x63: {  	_ =	shalt  }
0x64: {  	_ =	shalt  }
0x65: {  	_ =	shalt  }
0x66: {  	_ =	shalt  }
0x67: {  	_ =	shalt  }
0x68: {  	_ =	shalt  }
0x69: {  	_ =	shalt  }
0x6a: {  	_ =	shalt  }
0x6b: {  	_ =	shalt  }
0x6c: {  	_ =	shalt  }
0x6d: {  	_ =	shalt  }
0x6e: {  	_ =	shalt  }
0x6f: {  	_ =	shalt  }
0x70: {  	_ =	shalt  }
0x71: {  	_ =	shalt  }
0x72: {  	_ =	shalt  }
0x73: {  	_ =	shalt  }
0x74: {  	_ =	shalt  }
0x75: {  	_ =	shalt  }
0x76: {  	_ =	shalt  }
0x77: {  	_ =	shalt  }
0x78: {  	_ =	shalt  }
0x79: {  	_ =	shalt  }
0x7a: {  	_ =	shalt  }
0x7b: {  	_ =	shalt  }
0x7c: {  	_ =	shalt  }
0x7d: {  	_ =	shalt  }
0x7e: {  	_ =	shalt  }
0x7f: {  	_ =	shalt  }
0x80: {  	_ =	shalt  }
0x81: {  	_ =	shalt  }
0x82: {  	_ =	shalt  }
0x83: {  	_ =	shalt  }
0x84: {  	_ =	shalt  }
0x85: {  	_ =	shalt  }
0x86: {  	_ =	shalt  }
0x87: {  	_ =	shalt  }
.Lfunc_end0:
.L_simem_size_0:
called_computation_lowered:
.L_overlay_start_0:
0x88: {  	s0 =	sld [smem:$0x3FD9]  }
0x89: {  	s1 =	sld [smem:$0x3FFE];
	_ =	sdelay $0x3  }
0x8a: {  	s0 =	sadd.s32 s1, s0  }
0x8b: {  	[smem:$0x3FC6] =	sst s0  }
0x8c: {  	_ = 	snop  }
0x8d: {  	s0 =	sld [smem:$0x3FC9]  }
0x8e: {  	s16 =	sld [smem:$0x3FD0];
	(tm) =	ssettm $0x1  }
0x8f: {  	s2 =	sld [smem:$0x3FFB];
	_ =	sdelay $0x3  }
0x90: {  	_ =	strace s2  }
0x91: {  	s2 =	sld [smem:$0x3FFC];
	_ =	sdelay $0x3  }
0x92: {  	_ =	strace s2  }
0x93: {  	s2 =	sld [smem:$0x3FFD];
	_ =	sdelay $0x3  }
0x94: {  	_ =	strace s2  }
0x95: {  	_ =	strace $0x8FFFFFFF  }
0x96: {  	s17 =	sld [smem:$0x3FDB];
	_ =	sdelay $0x1  }
0x97: {  	s3 =	simm.s32 $_scs_section_size  }
0x98: {  	s4 =	simm.s32 $_size__tile_overlayer_lowered;
	s5 =	simm.s32 $_tile_overlayer_lowered  }
0x99: {  	s20 =	simm.s32 $0x1BFF;
	s19 =	sshll.u32 s5, $0x1;
	s2 =	sadd.s32 s3, s17  }
0x9a: {  	s6 =	simm.s32 $0x0;
	s18 =	sshll.u32 s4, $0x1;
	s4 =	sadd.s32 s19, s2  }
0x9b: {  	[timem:s6], [sflag:s20] =	dma.local [hbm:s4], s18  }
0x9c: {  	_ =	swait.ge [sflag:s20], s18  }
0x9d: {  	s3 =	ssub.s32 $0x0, s18;
	[sflag:s20] =	ssyncset.done $0x0  }
0x9e: {  	[sflag:s20] =	ssyncadd.s32 s3;
	_ =	sdelay $0x1  }
0x9f: {  	s21 =	simm.s32 $0x1B8B  }
0xa0: {  	_ =	swait.ge [sflag:s21], $0x1  }
0xa1: {  	[sflag:s21] =	ssyncset.done $0x0  }
0xa2: {  	s23 =	simm.s32 $0x1B8E;
	s22 =	sld [smem:$0x3FFE];
	[sflag:s21] =	ssyncadd.s32 $0xFFFFFFFF  }
0xa3: {  	s24 =	simm.s32 $execute0_lowered;
	[smem:$0x3FD2] =	sst s23  }
0xa4: {  	s4 =	sshll.u32 s24, $0x1;
	_ =	strace $0x80000046;
	[dreg:$0x1] =	wrdreg $0xFFFFFFFF  }
0xa5: {  	s25 =	simm.s32 $_size_execute0_lowered;
	s2 =	sadd.s32 s2, s4;
	[dreg:$0x0] =	wrdreg $0x0  }
0xa6: {  	s4 =	sshll.u32 s25, $0x1;
	[dreg:$0x2] =	wrdreg s2  }
0xa7: {  	[dreg:$0x3] =	wrdreg s4  }
0xa8: {  	[dreg:$0x4] =	wrdreg $0xC0  }
0xa9: {  	_ =	task [dreg:s6], $0x5FFFF  }
0xaa: {  	[dreg:$0x1] =	wrdreg $0xFFFFFFFF  }
0xab: {  	[dreg:$0x0] =	wrdreg $0x60  }
0xac: {  	[dreg:$0x2] =	wrdreg s22  }
0xad: {  	[dreg:$0x3] =	wrdreg s0  }
0xae: {  	[dreg:$0x4] =	wrdreg s16  }
0xaf: {  	[dreg:$0x5] =	wrdreg $0x9  }
0xb0: {  	_ =	task.clear_ibuf [dreg:s6], $0x6FFFF;
	_ =	strace $0x90000046  }
0xb1: {  	s26 =	simm.s32 $0x9;
	_ =	strace $0x80000048  }
0xb2: {  	_ =	swait.ge [sflag:s26], $0x1  }
0xb3: {  	[sflag:s26] =	ssyncadd.s32 $0xFFFFFFFF  }
0xb4: {  	_ =	strace $0x90000048  }
0xb5: {  	_ =	sfence  }
0xb6: {  	s28 =	sld [smem:$0x0];
	_ =	sdelay $0x1  }
0xb7: {  	s29 =	srdreg.scid  }
0xb8: {  	s30 =	sshll.u32 s29, $0xD;
	s31 =	sshrl.u32 s29, $0x2  }
0xb9: {  	s1 =	sand.u32 $0x1, s29;
	s2 =	sand.u32 $0x4000, s30;
	s0 =	sadd.s32 s31, s28  }
0xba: {  	s1 =	sor.u32 s2, s1;
	s0 =	sshll.u32 s0, $0x11  }
0xbb: {  	s0 =	sor.u32 s0, s1  }
0xbc: {  	s0 =	sadd.s32 $0x8F2B, s0  }
0xbd: {  	[sflag:s0] =	ssyncadd.remote.s32 $0x1  }
0xbe: {  	_ =	sfence.sel $0xFFFF  }
0xbf: {  	[dreg:$0x0] =	wrdreg $0xFFFFFFFF;
	(pc) =	sbr.abs _section_cstart, $3  }
0xc0: {  	[dreg:$0x1] =	wrdreg $0xFFFFFFFF  }
0xc1: {  	_ =	task.clear_ibuf [dreg:s6], $0x2FFFF;
	_ =	strace $0x9FFFFFFF  }
0xc2: {  	(tm) =	ssettm $0x7FFFFFFF  }
0xc3: {  	_ =	shalt  }
tec
execute0_lowered:
.L_overlay_start_1:
0x0: {  	(tag) =	ssettag $0x1  }
0x1: {  	s1 =	stileid.u32  }
0x2: {  	p0 =	sgt.u32 s1, $0x3  }
.Ltmp0:
0x3: {  	s4 =	rddreg [dreg:$0x0];
	(pc) =	sbr.rel @p0 .LBB2_4-.Ltmp0, $4  }
0x4: {  	s2 =	rddreg [dreg:$0x1]  }
0x5: {  	s3 =	rddreg [dreg:$0x2];
	s5 =	simm.s32 $0x0  }
0x6: {  	[smem:$0x7FF] =	sst s5  }
0x7: {  	s0 =	rddreg [dreg:$0x3];
	_ =	strace $0x80000047  }
0x8: {  	s6 =	sshll.u32 s1, $0x4;
	s7 =	simm.s32 $0x80  }
0x9: {  	s8 =	simm.s32 $0x200;
	s30 =	simm.s32 $0x1;
	s4 =	sadd.s32 s4, s6  }
0xa: {  	[tilespmem:s5], [sflag:$0x1] =	stream.strided.gather [hbm4b:s4+s7], $0x800, s8, s7, $0x38;
	[tilespmem:$0xC00] =	vst v63  }
0xb: {  	_ =	swait.ge [sflag:s30], $0x800  }
0xc: {  	[sflag:s30] =	ssyncset.done $0x0  }
0xd: {  	s31 =	simm.s32 $0x0;
	[sflag:s30] =	ssyncadd.s32 $0xFFFFF800  }
0xe: {  	v0 =	vld [tilespmem:s31+$0x70]  }
0xf: {  	v2 =	vld [tilespmem:s31+$0x0]  }
0x10: {  	v4 =	vld [tilespmem:s31+$0x10]  }
0x11: {  	v11 =	vld [tilespmem:s31+$0x20]  }
0x12: {  	v8 =	vld [tilespmem:s31+$0x30]  }
0x13: {  	v1 =	vimm.s32 $0x0;
	v5 =	vimm.s32 $0x0;
	v3 =	vld [tilespmem:s31+$0x40]  }
0x14: {  	v9 =	vimm.s32 $0x0;
	s3 =	sadd.s32 s3, s6;
	v6 =	vld [tilespmem:s31+$0x50];
	v0 =	vadd.s32 v1, v0;
	v7 =	vadd.s32 v1, v2  }
0x15: {  	s6 =	simm.s32 $0x400;
	s4 =	sshll.u32 s1, $0x17;
	s5 =	simm.s32 $0x80;
	v12 =	vld [tilespmem:s31+$0x60];
	v10 =	vadd.s32 v1, v4;
	v4 =	vimm.s32 $0x0;
	v2 =	vimm.s32 $0x0  }
.LBB2_2:
0x16: {  	p0 =	sne.s32 s6, $0x1E00;
	v13 =	vld [tilespmem:s5+$0x70];
	v1 =	vadd.s32 v1, v11  }
0x17: {  	v14 =	vld [tilespmem:s5+$0x0];
	v5 =	vadd.s32 v5, v8  }
0x18: {  	v15 =	vld [tilespmem:s5+$0x10];
	v9 =	vadd.s32 v9, v3  }
.Ltmp1:
0x19: {  	v11 =	vld [tilespmem:s5+$0x20];
	v4 =	vadd.s32 v4, v6;
	(pc) =	sbr.rel @p0 .LBB2_2-.Ltmp1, $4  }
0x1a: {  	v8 =	vld [tilespmem:s5+$0x30];
	v2 =	vadd.s32 v2, v12  }
0x1b: {  	v3 =	vld [tilespmem:s5+$0x40];
	v0 =	vadd.s32 v0, v13  }
0x1c: {  	v7 =	vadd.s32 v7, v14;
	v6 =	vld [tilespmem:s5+$0x50]  }
0x1d: {  	v10 =	vadd.s32 v10, v15;
	v12 =	vld [tilespmem:s5+$0x60];
	s5 =	sshra.s32 s6, $0x2;
	s6 =	sadd.s32 $0x200, s6  }
0x1e: {  	v13 =	vld [tilespmem:s5+$0x0]  }
0x1f: {  	v14 =	vld [tilespmem:s5+$0x10]  }
0x20: {  	v15 =	vld [tilespmem:s5+$0x20]  }
0x21: {  	v16 =	vld [tilespmem:s5+$0x30]  }
0x22: {  	v17 =	vld [tilespmem:s5+$0x40]  }
0x23: {  	v18 =	vld [tilespmem:s5+$0x50]  }
0x24: {  	v1 =	vadd.s32 v1, v11;
	v60 =	vld [tilespmem:s5+$0x60];
	v7 =	vadd.s32 v7, v13;
	v10 =	vadd.s32 v10, v14  }
0x25: {  	v61 =	vld [tilespmem:s5+$0x70];
	v5 =	vadd.s32 v5, v8;
	v1 =	vadd.s32 v1, v15;
	v7 =	vadd.s32 v7, v10  }
0x26: {  	v3 =	vadd.s32 v9, v3;
	v5 =	vadd.s32 v5, v16;
	v1 =	vadd.s32 v1, v7  }
0x27: {  	v4 =	vadd.s32 v4, v6;
	v3 =	vadd.s32 v3, v17;
	v1 =	vadd.s32 v5, v1  }
0x28: {  	v2 =	vadd.s32 v2, v12;
	v4 =	vadd.s32 v4, v18;
	v1 =	vadd.s32 v3, v1  }
0x29: {  	v2 =	vadd.s32 v2, v60;
	v1 =	vadd.s32 v4, v1  }
0x2a: {  	v0 =	vadd.s32 v0, v61;
	v1 =	vadd.s32 v2, v1  }
0x2b: {  	v0 =	vadd.s32 v0, v1  }
0x2c: {  	v1 =	vand.u32 $0xFF, v0;
	v62 =	vshrl.u32 v0, $0x8;
	v63 =	vshrl.u32 v0, $0x18  }
0x2d: {  	v0 =	vshrl.u32 v0, $0x10;
	v2 =	vand.u32 $0xFF, v62;
	v1 =	vadd.s32 v1, v63  }
0x2e: {  	v0 =	vand.u32 $0xFF, v0;
	v1 =	vadd.s32 v2, v1  }
0x2f: {  	v0 =	vadd.s32 v0, v1  }
0x30: {  	(xrf0) =	vadd.scan.msk.s32 $0xffff, v0;
	_ =	sdelay $0x5  }
0x31: {  	v0, _, _ =	vpop (xrf0)  }
0x32: {  	(v2sf) =	vpush v0, $0xF;
	_ =	sdelay $0xe  }
0x33: {  	s25 =	spop (v2sf)  }
0x34: {  	s5 =	sadd.s32 $0xFFFFFFFF, s25  }
0x35: {  	p0 =	sgt.s32 s5, $0x0  }
0x36: {  	s5 =	simm.s32 @!p0 $0x0  }
0x37: {  	s6 =	sshll.u32 s5, $0xA  }
0x38: {  	s5 =	sshll.u32 s5, $0x7;
	s4 =	sadd.s32 s4, s6  }
0x39: {  	s5 =	sand.u32 $0x380, s5;
	s4 =	sand.u32 $0xFFFFE000, s4  }
0x3a: {  	s4 =	sor.u32 s5, s4  }
0x3b: {  	s26 =	simm.s32 $0x80;
	s28 =	simm.s32 $0x400;
	s4 =	sshrl.u32 s4, $0x3  }
0x3c: {  	s29 =	simm.s32 $0x800;
	s30 =	simm.s32 $0x1;
	s2 =	sadd.s32 s2, s4  }
0x3d: {  	[tilespmem:s29], [sflag:$0x1] =	stream.strided.gather [hbm4b:s2+s26], $0x400, s28, s26, $0x38;
	[tilespmem:$0xC00] =	vst v63  }
0x3e: {  	_ =	swait.ge [sflag:s30], $0x400  }
0x3f: {  	[sflag:s30] =	ssyncset.done $0x0  }
0x40: {  	s31 =	simm.s32 $0x200;
	[sflag:s30] =	ssyncadd.s32 $0xFFFFFC00  }
0x41: {  	[hbm4b:s3+s26] =	stream.strided.scatter [tilespmem:s29], [sflag:$0x1], $0x400, s31, s26, $0x38;
	[tilespmem:$0xC00] =	vst v63  }
0x42: {  	_ =	swait.ge [sflag:s30], $0x400  }
0x43: {  	[sflag:s30] =	ssyncset.done $0x0  }
0x44: {  	[sflag:s30] =	ssyncadd.s32 $0xFFFFFC00  }
.LBB2_4:
0x45: {  	_ =	sfence.sel $0x180000  }
0x46: {  	[bflag:$0x0] =	sbarrier.arrive $0xFFFF  }
0x47: {  	p0 =	sne.s32 s1, $0x0;
	_ =	strace $0x90000047  }
0x48: {  	s0 =	sadd.s32 @!p0 $0x100000, s0;
	[bflag:$0x2] =	sbarrier.arrive $0xFFFF  }
0x49: {  	[sflag:s0] =	ssyncadd.tile.s32 @!p0 $0x1;
	_ =	shalt  }
.Lfunc_end2:
_tile_overlayer_lowered:
.L_overlay_start_2:
0x4a: {  	(tag) =	ssettag $0x2  }
0x4b: {  	s0 =	rddreg [dreg:$0x0];
	s2 =	stileid.u32  }
0x4c: {  	s1 =	rddreg [dreg:$0x1];
	p0 =	sne.s32 s2, $0x0  }
0x4d: {  	s3 =	rddreg [dreg:$0x2];
	[bflag:$0x3] =	sbarrier.arrive $0xFFFF;
	s2 =	simm.s32 @!p0 $0x1C01  }
0x4e: {  	[timem:s3], [sflag:s2] =	dma.local @!p0 [hbm:s0], s1  }
0x4f: {  	s0 =	simm.s32 @!p0 $0x1  }
0x50: {  	_ =	swait.ge @!p0 [sflag:s0], s1  }
0x51: {  	s1 =	ssub.s32 @!p0 $0x0, s1;
	[sflag:s0] =	ssyncset.done @!p0 $0x0  }
0x52: {  	[sflag:s0] =	ssyncadd.s32 @!p0 s1  }
0x53: {  	[bflag:$0x3] =	sbarrier.arrive $0xFFFF  }
0x54: {  	_ =	shalt  }

</sc_bundles>
